<compile_context>
chip_gen: v7x
topology: tpu7x:2x2x1
jax: 0.10.2.dev20260603
libtpu: 0.0.44.dev20260713+nightly
codegen_flags: <defaults>
</compile_context>

<pallas_src>
import jax
import jax.numpy as jnp
from jax import lax
from jax.experimental import pallas as pl
from jax.experimental.pallas import tpu as pltpu
from jax.experimental.pallas import tpu_sc as plsc

B, S, D, V = 16, 8192, 128, 100000
NC, NS = 2, 16
NW = NC * NS
S_CHUNK = S // NW
SUB = 128
NSUB = S_CHUNK // SUB
NBUF = 4
NITER = B * NSUB // NBUF


def _emb_body(ids_ref, tok_ref, pos_ref, out_ref,
              idx, rows, sem_i, sem_p, sem_g, sem_o):
    wid = lax.axis_index("s") * NC + lax.axis_index("c")
    s0 = wid * S_CHUNK

    def srcs(bb, c):
        b = (NBUF // NSUB) * bb + c // NSUB
        s = s0 + (c % NSUB) * SUB
        return b * S + s, s

    def issue_inputs(bb, c):
        base, s = srcs(bb, c)
        pltpu.async_copy(ids_ref.at[pl.ds(base, SUB)], idx[c], sem_i[c])
        pltpu.async_copy(pos_ref.at[pl.ds(s, SUB)], rows[c], sem_p[c])

    for c in range(NBUF):
        issue_inputs(0, c)

    @pl.loop(0, NITER)
    def _iter(bb):
        gathers = []
        for c in range(NBUF):
            base, s = srcs(bb, c)
            pltpu.make_async_copy(ids_ref.at[pl.ds(base, SUB)],
                                  idx[c], sem_i[c]).wait()
            pltpu.make_async_copy(pos_ref.at[pl.ds(s, SUB)],
                                  rows[c], sem_p[c]).wait()
            gathers.append(
                pltpu.async_copy(tok_ref.at[idx[c]], rows[c], sem_g[c],
                                 add=True))
        for c in range(NBUF):
            base, _ = srcs(bb, c)
            gathers[c].wait()
            pltpu.async_copy(rows[c], out_ref.at[pl.ds(base, SUB)], sem_o[c])
        for c in range(NBUF):
            @pl.when(bb < NITER - 1)
            def _prefetch(c=c):
                base, _ = srcs(bb, c)
                pltpu.make_async_copy(rows[c], out_ref.at[pl.ds(base, SUB)],
                                      sem_o[c]).wait()
                issue_inputs(bb + 1, c)

    for c in range(NBUF):
        base, _ = srcs(NITER - 1, c)
        pltpu.make_async_copy(rows[c], out_ref.at[pl.ds(base, SUB)],
                              sem_o[c]).wait()


def kernel(input_ids, token_table, pos_table):
    ids_flat = input_ids.reshape(-1).astype(jnp.int32)
    mesh = plsc.VectorSubcoreMesh(core_axis_name="c", subcore_axis_name="s")
    f = pl.kernel(
        _emb_body,
        out_type=jax.ShapeDtypeStruct((B * S, D), jnp.float32),
        mesh=mesh,
        scratch_types=[
            [pltpu.VMEM((SUB,), jnp.int32) for _ in range(NBUF)],
            [pltpu.VMEM((SUB, D), jnp.float32) for _ in range(NBUF)],
            [pltpu.SemaphoreType.DMA for _ in range(NBUF)],
            [pltpu.SemaphoreType.DMA for _ in range(NBUF)],
            [pltpu.SemaphoreType.DMA for _ in range(NBUF)],
            [pltpu.SemaphoreType.DMA for _ in range(NBUF)],
        ],
    )
    out = f(ids_flat, token_table, pos_table)
    return out.reshape(B, S, D)

# --- scband reference (transcript-rebuilt; emitter-appended) ---
"""Pipeline reference for scband-embedding-layer-53094385713323 (READ-ONLY COPY).

The authoritative reference and input builder live on the scoring server;
editing this copy changes nothing except your own understanding.
"""

import jax, jax.numpy as jnp
import numpy as np

VOCAB_SIZE = 100000
HIDDEN_SIZE = 128
MAX_POSITION = 8192
BATCH = 16
SEQ_LEN = 8192


def setup_inputs(seed: int = 0) -> dict:
    key = jax.random.key(seed)
    k_ids, k_tok, k_pos = jax.random.split(key, 3)
    input_ids = jax.random.randint(k_ids, (BATCH, SEQ_LEN), 0, VOCAB_SIZE, dtype=jnp.int64 if jax.config.jax_enable_x64 else jnp.int32)
    token_table = jax.random.normal(k_tok, (VOCAB_SIZE, HIDDEN_SIZE), dtype=jnp.float32) * 0.02
    pos_table = jax.random.normal(k_pos, (MAX_POSITION, HIDDEN_SIZE), dtype=jnp.float32) * 0.02
    return {"input_ids": input_ids, "token_table": token_table, "pos_table": pos_table}


def reference(input_ids, token_table, pos_table):
    batch, seq_len = input_ids.shape
    positions = jnp.arange(seq_len)[None, :]
    positions = jnp.broadcast_to(positions, (batch, seq_len))
    tok = jnp.take(token_table, input_ids, axis=0)
    pos = jnp.take(pos_table, positions, axis=0)
    x = tok + pos
    # dropout with p=0.0 is identity (eval-equivalent)
    return x

if __name__ == "__main__":
    import jax
    _d = setup_inputs()
    print(jax.jit(kernel)(*tuple(_d.values())))

</pallas_src>

<mosaic_0001>
#map = affine_map<(d0, d1) -> (0)>
#map1 = affine_map<(d0, d1) -> (0, 0)>
module attributes {stable_mosaic.version = 14 : i64} {
  func.func @_emb_body(%arg0: i32, %arg1: i32, %arg2: memref<131072xi32, #tpu.memory_space<hbm>>, %arg3: memref<100000x128xf32, #tpu.memory_space<hbm>>, %arg4: memref<8192x128xf32, #tpu.memory_space<hbm>>, %arg5: memref<131072x128xf32, #tpu.memory_space<hbm>>, %arg6: memref<128xi32, #tpu.memory_space<vmem>>, %arg7: memref<128xi32, #tpu.memory_space<vmem>>, %arg8: memref<128xi32, #tpu.memory_space<vmem>>, %arg9: memref<128xi32, #tpu.memory_space<vmem>>, %arg10: memref<128x128xf32, #tpu.memory_space<vmem>>, %arg11: memref<128x128xf32, #tpu.memory_space<vmem>>, %arg12: memref<128x128xf32, #tpu.memory_space<vmem>>, %arg13: memref<128x128xf32, #tpu.memory_space<vmem>>, %arg14: memref<!tpu.dma_semaphore, #tpu.memory_space<semaphore_mem>>, %arg15: memref<!tpu.dma_semaphore, #tpu.memory_space<semaphore_mem>>, %arg16: memref<!tpu.dma_semaphore, #tpu.memory_space<semaphore_mem>>, %arg17: memref<!tpu.dma_semaphore, #tpu.memory_space<semaphore_mem>>, %arg18: memref<!tpu.dma_semaphore, #tpu.memory_space<semaphore_mem>>, %arg19: memref<!tpu.dma_semaphore, #tpu.memory_space<semaphore_mem>>, %arg20: memref<!tpu.dma_semaphore, #tpu.memory_space<semaphore_mem>>, %arg21: memref<!tpu.dma_semaphore, #tpu.memory_space<semaphore_mem>>, %arg22: memref<!tpu.dma_semaphore, #tpu.memory_space<semaphore_mem>>, %arg23: memref<!tpu.dma_semaphore, #tpu.memory_space<semaphore_mem>>, %arg24: memref<!tpu.dma_semaphore, #tpu.memory_space<semaphore_mem>>, %arg25: memref<!tpu.dma_semaphore, #tpu.memory_space<semaphore_mem>>, %arg26: memref<!tpu.dma_semaphore, #tpu.memory_space<semaphore_mem>>, %arg27: memref<!tpu.dma_semaphore, #tpu.memory_space<semaphore_mem>>, %arg28: memref<!tpu.dma_semaphore, #tpu.memory_space<semaphore_mem>>, %arg29: memref<!tpu.dma_semaphore, #tpu.memory_space<semaphore_mem>>) attributes {dimension_semantics = [#tpu.dimension_semantics<core_parallel>, #tpu.dimension_semantics<subcore_parallel>], iteration_bounds = array<i64: 2, 16>, scalar_prefetch = 0 : i64, scratch_operands = 24 : i64, tpu.core_type = #tpu.core_type<sc_vector_subcore>, window_params = [{transform_indices = #map}, {transform_indices = #map1}, {transform_indices = #map1}, {transform_indices = #map1}]} {
    %mul3A = arith.constant 2 : i32
    %mul3A_0 = arith.muli %arg1, %mul3A : i32
    %add3A = arith.addi %mul3A_0, %arg0 : i32
    %mul3A_1 = arith.constant 256 : i32
    %mul3A_2 = arith.muli %add3A, %mul3A_1 : i32
    %add3A_3 = arith.constant 0 : i32
    %add3A_4 = arith.addi %mul3A_2, %add3A_3 : i32
    %add3A_5 = arith.constant 0 : i32
    %add3A_6 = arith.addi %add3A_5, %add3A_4 : i32
    %dma_start3A = tpu.memref_slice %arg2[%add3A_6] : memref<131072xi32, #tpu.memory_space<hbm>> -> memref<128xi32, #tpu.memory_space<hbm>>
    %dma_start3A_7 = tpu.memref_slice %arg2[%add3A_6] : memref<131072xi32, #tpu.memory_space<hbm>> -> memref<128xi32, #tpu.memory_space<hbm>>
    tpu.enqueue_dma source(%dma_start3A_7 : memref<128xi32, #tpu.memory_space<hbm>>) target(%arg6 : memref<128xi32, #tpu.memory_space<vmem>>) target_semaphore(%arg14 : memref<!tpu.dma_semaphore, #tpu.memory_space<semaphore_mem>>)
    %dma_start3A_8 = arith.constant 0 : i32
    %dma_start3A_9 = tpu.memref_slice %arg4[%add3A_4, %dma_start3A_8] : memref<8192x128xf32, #tpu.memory_space<hbm>> -> memref<128x128xf32, #tpu.memory_space<hbm>>
    %dma_start3A_10 = arith.constant 0 : i32
    %dma_start3A_11 = tpu.memref_slice %arg4[%add3A_4, %dma_start3A_10] : memref<8192x128xf32, #tpu.memory_space<hbm>> -> memref<128x128xf32, #tpu.memory_space<hbm>>
    tpu.enqueue_dma source(%dma_start3A_11 : memref<128x128xf32, #tpu.memory_space<hbm>>) target(%arg10 : memref<128x128xf32, #tpu.memory_space<vmem>>) target_semaphore(%arg18 : memref<!tpu.dma_semaphore, #tpu.memory_space<semaphore_mem>>)
    %add3A_12 = arith.constant 128 : i32
    %add3A_13 = arith.addi %mul3A_2, %add3A_12 : i32
    %add3A_14 = arith.constant 0 : i32
    %add3A_15 = arith.addi %add3A_14, %add3A_13 : i32
    %dma_start3A_16 = tpu.memref_slice %arg2[%add3A_15] : memref<131072xi32, #tpu.memory_space<hbm>> -> memref<128xi32, #tpu.memory_space<hbm>>
    %dma_start3A_17 = tpu.memref_slice %arg2[%add3A_15] : memref<131072xi32, #tpu.memory_space<hbm>> -> memref<128xi32, #tpu.memory_space<hbm>>
    tpu.enqueue_dma source(%dma_start3A_17 : memref<128xi32, #tpu.memory_space<hbm>>) target(%arg7 : memref<128xi32, #tpu.memory_space<vmem>>) target_semaphore(%arg15 : memref<!tpu.dma_semaphore, #tpu.memory_space<semaphore_mem>>)
    %dma_start3A_18 = arith.constant 0 : i32
    %dma_start3A_19 = tpu.memref_slice %arg4[%add3A_13, %dma_start3A_18] : memref<8192x128xf32, #tpu.memory_space<hbm>> -> memref<128x128xf32, #tpu.memory_space<hbm>>
    %dma_start3A_20 = arith.constant 0 : i32
    %dma_start3A_21 = tpu.memref_slice %arg4[%add3A_13, %dma_start3A_20] : memref<8192x128xf32, #tpu.memory_space<hbm>> -> memref<128x128xf32, #tpu.memory_space<hbm>>
    tpu.enqueue_dma source(%dma_start3A_21 : memref<128x128xf32, #tpu.memory_space<hbm>>) target(%arg11 : memref<128x128xf32, #tpu.memory_space<vmem>>) target_semaphore(%arg19 : memref<!tpu.dma_semaphore, #tpu.memory_space<semaphore_mem>>)
    %add3A_22 = arith.constant 0 : i32
    %add3A_23 = arith.addi %mul3A_2, %add3A_22 : i32
    %add3A_24 = arith.constant 8192 : i32
    %add3A_25 = arith.addi %add3A_24, %add3A_23 : i32
    %dma_start3A_26 = tpu.memref_slice %arg2[%add3A_25] : memref<131072xi32, #tpu.memory_space<hbm>> -> memref<128xi32, #tpu.memory_space<hbm>>
    %dma_start3A_27 = tpu.memref_slice %arg2[%add3A_25] : memref<131072xi32, #tpu.memory_space<hbm>> -> memref<128xi32, #tpu.memory_space<hbm>>
    tpu.enqueue_dma source(%dma_start3A_27 : memref<128xi32, #tpu.memory_space<hbm>>) target(%arg8 : memref<128xi32, #tpu.memory_space<vmem>>) target_semaphore(%arg16 : memref<!tpu.dma_semaphore, #tpu.memory_space<semaphore_mem>>)
    %dma_start3A_28 = arith.constant 0 : i32
    %dma_start3A_29 = tpu.memref_slice %arg4[%add3A_23, %dma_start3A_28] : memref<8192x128xf32, #tpu.memory_space<hbm>> -> memref<128x128xf32, #tpu.memory_space<hbm>>
    %dma_start3A_30 = arith.constant 0 : i32
    %dma_start3A_31 = tpu.memref_slice %arg4[%add3A_23, %dma_start3A_30] : memref<8192x128xf32, #tpu.memory_space<hbm>> -> memref<128x128xf32, #tpu.memory_space<hbm>>
    tpu.enqueue_dma source(%dma_start3A_31 : memref<128x128xf32, #tpu.memory_space<hbm>>) target(%arg12 : memref<128x128xf32, #tpu.memory_space<vmem>>) target_semaphore(%arg20 : memref<!tpu.dma_semaphore, #tpu.memory_space<semaphore_mem>>)
    %add3A_32 = arith.constant 128 : i32
    %add3A_33 = arith.addi %mul3A_2, %add3A_32 : i32
    %add3A_34 = arith.constant 8192 : i32
    %add3A_35 = arith.addi %add3A_34, %add3A_33 : i32
    %dma_start3A_36 = tpu.memref_slice %arg2[%add3A_35] : memref<131072xi32, #tpu.memory_space<hbm>> -> memref<128xi32, #tpu.memory_space<hbm>>
    %dma_start3A_37 = tpu.memref_slice %arg2[%add3A_35] : memref<131072xi32, #tpu.memory_space<hbm>> -> memref<128xi32, #tpu.memory_space<hbm>>
    tpu.enqueue_dma source(%dma_start3A_37 : memref<128xi32, #tpu.memory_space<hbm>>) target(%arg9 : memref<128xi32, #tpu.memory_space<vmem>>) target_semaphore(%arg17 : memref<!tpu.dma_semaphore, #tpu.memory_space<semaphore_mem>>)
    %dma_start3A_38 = arith.constant 0 : i32
    %dma_start3A_39 = tpu.memref_slice %arg4[%add3A_33, %dma_start3A_38] : memref<8192x128xf32, #tpu.memory_space<hbm>> -> memref<128x128xf32, #tpu.memory_space<hbm>>
    %dma_start3A_40 = arith.constant 0 : i32
    %dma_start3A_41 = tpu.memref_slice %arg4[%add3A_33, %dma_start3A_40] : memref<8192x128xf32, #tpu.memory_space<hbm>> -> memref<128x128xf32, #tpu.memory_space<hbm>>
    tpu.enqueue_dma source(%dma_start3A_41 : memref<128x128xf32, #tpu.memory_space<hbm>>) target(%arg13 : memref<128x128xf32, #tpu.memory_space<vmem>>) target_semaphore(%arg21 : memref<!tpu.dma_semaphore, #tpu.memory_space<semaphore_mem>>)
    %scan3A = arith.constant 0 : i32
    %scan3A_42 = arith.constant 8 : i32
    %scan3A_43 = arith.addi %scan3A, %scan3A_42 : i32
    %scan3A_44 = arith.constant 1 : i32
    scf.for %scan3A_77 = %scan3A to %scan3A_43 step %scan3A_44  : i32 {
      %mul3A_78 = arith.constant 1 : i32
      %mul3A_79 = arith.muli %scan3A_77, %mul3A_78 : i32
      %add3A_80 = arith.constant 0 : i32
      %add3A_81 = arith.addi %add3A_80, %mul3A_79 : i32
      %mul3A_82 = arith.constant 2 : i32
      %mul3A_83 = arith.muli %mul3A_82, %add3A_81 : i32
      %add3A_84 = arith.constant 0 : i32
      %add3A_85 = arith.addi %mul3A_83, %add3A_84 : i32
      %add3A_86 = arith.constant 0 : i32
      %add3A_87 = arith.addi %mul3A_2, %add3A_86 : i32
      %mul3A_88 = arith.constant 8192 : i32
      %mul3A_89 = arith.muli %add3A_85, %mul3A_88 : i32
      %add3A_90 = arith.addi %mul3A_89, %add3A_87 : i32
      %dma_wait3A_91 = tpu.memref_slice %arg2[%add3A_90] : memref<131072xi32, #tpu.memory_space<hbm>> -> memref<128xi32, #tpu.memory_space<hbm>>
      %dma_wait3A_92 = tpu.memref_slice %arg2[%add3A_90] : memref<131072xi32, #tpu.memory_space<hbm>> -> memref<128xi32, #tpu.memory_space<hbm>>
      tpu.wait_dma2 semaphore(%arg14 : memref<!tpu.dma_semaphore, #tpu.memory_space<semaphore_mem>>) src(%dma_wait3A_92 : memref<128xi32, #tpu.memory_space<hbm>>) dst(%arg6 : memref<128xi32, #tpu.memory_space<vmem>>)
      %dma_wait3A_93 = arith.constant 0 : i32
      %dma_wait3A_94 = tpu.memref_slice %arg4[%add3A_87, %dma_wait3A_93] : memref<8192x128xf32, #tpu.memory_space<hbm>> -> memref<128x128xf32, #tpu.memory_space<hbm>>
      %dma_wait3A_95 = arith.constant 0 : i32
      %dma_wait3A_96 = tpu.memref_slice %arg4[%add3A_87, %dma_wait3A_95] : memref<8192x128xf32, #tpu.memory_space<hbm>> -> memref<128x128xf32, #tpu.memory_space<hbm>>
      tpu.wait_dma2 semaphore(%arg18 : memref<!tpu.dma_semaphore, #tpu.memory_space<semaphore_mem>>) src(%dma_wait3A_96 : memref<128x128xf32, #tpu.memory_space<hbm>>) dst(%arg10 : memref<128x128xf32, #tpu.memory_space<vmem>>)
      %dma_start3A_97 = arith.constant 0 : i32
      %dma_start3A_98 = arith.constant 0 : i32
      %dma_start3A_99 = tpu.memref_slice %arg3[%dma_start3A_97, %dma_start3A_98] : memref<100000x128xf32, #tpu.memory_space<hbm>> -> memref<100000x128xf32, #tpu.memory_space<hbm>>
      tpu.enqueue_indirect_dma source(%dma_start3A_99 : memref<100000x128xf32, #tpu.memory_space<hbm>>) target(%arg10 : memref<128x128xf32, #tpu.memory_space<vmem>>) offsets(%arg6 : memref<128xi32, #tpu.memory_space<vmem>>) semaphore(%arg22 : memref<!tpu.dma_semaphore, #tpu.memory_space<semaphore_mem>>) {add = true}
      %mul3A_100 = arith.constant 2 : i32
      %mul3A_101 = arith.muli %mul3A_100, %add3A_81 : i32
      %add3A_102 = arith.constant 0 : i32
      %add3A_103 = arith.addi %mul3A_101, %add3A_102 : i32
      %add3A_104 = arith.constant 128 : i32
      %add3A_105 = arith.addi %mul3A_2, %add3A_104 : i32
      %mul3A_106 = arith.constant 8192 : i32
      %mul3A_107 = arith.muli %add3A_103, %mul3A_106 : i32
      %add3A_108 = arith.addi %mul3A_107, %add3A_105 : i32
      %dma_wait3A_109 = tpu.memref_slice %arg2[%add3A_108] : memref<131072xi32, #tpu.memory_space<hbm>> -> memref<128xi32, #tpu.memory_space<hbm>>
      %dma_wait3A_110 = tpu.memref_slice %arg2[%add3A_108] : memref<131072xi32, #tpu.memory_space<hbm>> -> memref<128xi32, #tpu.memory_space<hbm>>
      tpu.wait_dma2 semaphore(%arg15 : memref<!tpu.dma_semaphore, #tpu.memory_space<semaphore_mem>>) src(%dma_wait3A_110 : memref<128xi32, #tpu.memory_space<hbm>>) dst(%arg7 : memref<128xi32, #tpu.memory_space<vmem>>)
      %dma_wait3A_111 = arith.constant 0 : i32
      %dma_wait3A_112 = tpu.memref_slice %arg4[%add3A_105, %dma_wait3A_111] : memref<8192x128xf32, #tpu.memory_space<hbm>> -> memref<128x128xf32, #tpu.memory_space<hbm>>
      %dma_wait3A_113 = arith.constant 0 : i32
      %dma_wait3A_114 = tpu.memref_slice %arg4[%add3A_105, %dma_wait3A_113] : memref<8192x128xf32, #tpu.memory_space<hbm>> -> memref<128x128xf32, #tpu.memory_space<hbm>>
      tpu.wait_dma2 semaphore(%arg19 : memref<!tpu.dma_semaphore, #tpu.memory_space<semaphore_mem>>) src(%dma_wait3A_114 : memref<128x128xf32, #tpu.memory_space<hbm>>) dst(%arg11 : memref<128x128xf32, #tpu.memory_space<vmem>>)
      %dma_start3A_115 = arith.constant 0 : i32
      %dma_start3A_116 = arith.constant 0 : i32
      %dma_start3A_117 = tpu.memref_slice %arg3[%dma_start3A_115, %dma_start3A_116] : memref<100000x128xf32, #tpu.memory_space<hbm>> -> memref<100000x128xf32, #tpu.memory_space<hbm>>
      tpu.enqueue_indirect_dma source(%dma_start3A_117 : memref<100000x128xf32, #tpu.memory_space<hbm>>) target(%arg11 : memref<128x128xf32, #tpu.memory_space<vmem>>) offsets(%arg7 : memref<128xi32, #tpu.memory_space<vmem>>) semaphore(%arg23 : memref<!tpu.dma_semaphore, #tpu.memory_space<semaphore_mem>>) {add = true}
      %mul3A_118 = arith.constant 2 : i32
      %mul3A_119 = arith.muli %mul3A_118, %add3A_81 : i32
      %add3A_120 = arith.constant 1 : i32
      %add3A_121 = arith.addi %mul3A_119, %add3A_120 : i32
      %add3A_122 = arith.constant 0 : i32
      %add3A_123 = arith.addi %mul3A_2, %add3A_122 : i32
      %mul3A_124 = arith.constant 8192 : i32
      %mul3A_125 = arith.muli %add3A_121, %mul3A_124 : i32
      %add3A_126 = arith.addi %mul3A_125, %add3A_123 : i32
      %dma_wait3A_127 = tpu.memref_slice %arg2[%add3A_126] : memref<131072xi32, #tpu.memory_space<hbm>> -> memref<128xi32, #tpu.memory_space<hbm>>
      %dma_wait3A_128 = tpu.memref_slice %arg2[%add3A_126] : memref<131072xi32, #tpu.memory_space<hbm>> -> memref<128xi32, #tpu.memory_space<hbm>>
      tpu.wait_dma2 semaphore(%arg16 : memref<!tpu.dma_semaphore, #tpu.memory_space<semaphore_mem>>) src(%dma_wait3A_128 : memref<128xi32, #tpu.memory_space<hbm>>) dst(%arg8 : memref<128xi32, #tpu.memory_space<vmem>>)
      %dma_wait3A_129 = arith.constant 0 : i32
      %dma_wait3A_130 = tpu.memref_slice %arg4[%add3A_123, %dma_wait3A_129] : memref<8192x128xf32, #tpu.memory_space<hbm>> -> memref<128x128xf32, #tpu.memory_space<hbm>>
      %dma_wait3A_131 = arith.constant 0 : i32
      %dma_wait3A_132 = tpu.memref_slice %arg4[%add3A_123, %dma_wait3A_131] : memref<8192x128xf32, #tpu.memory_space<hbm>> -> memref<128x128xf32, #tpu.memory_space<hbm>>
      tpu.wait_dma2 semaphore(%arg20 : memref<!tpu.dma_semaphore, #tpu.memory_space<semaphore_mem>>) src(%dma_wait3A_132 : memref<128x128xf32, #tpu.memory_space<hbm>>) dst(%arg12 : memref<128x128xf32, #tpu.memory_space<vmem>>)
      %dma_start3A_133 = arith.constant 0 : i32
      %dma_start3A_134 = arith.constant 0 : i32
      %dma_start3A_135 = tpu.memref_slice %arg3[%dma_start3A_133, %dma_start3A_134] : memref<100000x128xf32, #tpu.memory_space<hbm>> -> memref<100000x128xf32, #tpu.memory_space<hbm>>
      tpu.enqueue_indirect_dma source(%dma_start3A_135 : memref<100000x128xf32, #tpu.memory_space<hbm>>) target(%arg12 : memref<128x128xf32, #tpu.memory_space<vmem>>) offsets(%arg8 : memref<128xi32, #tpu.memory_space<vmem>>) semaphore(%arg24 : memref<!tpu.dma_semaphore, #tpu.memory_space<semaphore_mem>>) {add = true}
      %mul3A_136 = arith.constant 2 : i32
      %mul3A_137 = arith.muli %mul3A_136, %add3A_81 : i32
      %add3A_138 = arith.constant 1 : i32
      %add3A_139 = arith.addi %mul3A_137, %add3A_138 : i32
      %add3A_140 = arith.constant 128 : i32
      %add3A_141 = arith.addi %mul3A_2, %add3A_140 : i32
      %mul3A_142 = arith.constant 8192 : i32
      %mul3A_143 = arith.muli %add3A_139, %mul3A_142 : i32
      %add3A_144 = arith.addi %mul3A_143, %add3A_141 : i32
      %dma_wait3A_145 = tpu.memref_slice %arg2[%add3A_144] : memref<131072xi32, #tpu.memory_space<hbm>> -> memref<128xi32, #tpu.memory_space<hbm>>
      %dma_wait3A_146 = tpu.memref_slice %arg2[%add3A_144] : memref<131072xi32, #tpu.memory_space<hbm>> -> memref<128xi32, #tpu.memory_space<hbm>>
      tpu.wait_dma2 semaphore(%arg17 : memref<!tpu.dma_semaphore, #tpu.memory_space<semaphore_mem>>) src(%dma_wait3A_146 : memref<128xi32, #tpu.memory_space<hbm>>) dst(%arg9 : memref<128xi32, #tpu.memory_space<vmem>>)
      %dma_wait3A_147 = arith.constant 0 : i32
      %dma_wait3A_148 = tpu.memref_slice %arg4[%add3A_141, %dma_wait3A_147] : memref<8192x128xf32, #tpu.memory_space<hbm>> -> memref<128x128xf32, #tpu.memory_space<hbm>>
      %dma_wait3A_149 = arith.constant 0 : i32
      %dma_wait3A_150 = tpu.memref_slice %arg4[%add3A_141, %dma_wait3A_149] : memref<8192x128xf32, #tpu.memory_space<hbm>> -> memref<128x128xf32, #tpu.memory_space<hbm>>
      tpu.wait_dma2 semaphore(%arg21 : memref<!tpu.dma_semaphore, #tpu.memory_space<semaphore_mem>>) src(%dma_wait3A_150 : memref<128x128xf32, #tpu.memory_space<hbm>>) dst(%arg13 : memref<128x128xf32, #tpu.memory_space<vmem>>)
      %dma_start3A_151 = arith.constant 0 : i32
      %dma_start3A_152 = arith.constant 0 : i32
      %dma_start3A_153 = tpu.memref_slice %arg3[%dma_start3A_151, %dma_start3A_152] : memref<100000x128xf32, #tpu.memory_space<hbm>> -> memref<100000x128xf32, #tpu.memory_space<hbm>>
      tpu.enqueue_indirect_dma source(%dma_start3A_153 : memref<100000x128xf32, #tpu.memory_space<hbm>>) target(%arg13 : memref<128x128xf32, #tpu.memory_space<vmem>>) offsets(%arg9 : memref<128xi32, #tpu.memory_space<vmem>>) semaphore(%arg25 : memref<!tpu.dma_semaphore, #tpu.memory_space<semaphore_mem>>) {add = true}
      %mul3A_154 = arith.constant 2 : i32
      %mul3A_155 = arith.muli %mul3A_154, %add3A_81 : i32
      %add3A_156 = arith.constant 0 : i32
      %add3A_157 = arith.addi %mul3A_155, %add3A_156 : i32
      %add3A_158 = arith.constant 0 : i32
      %add3A_159 = arith.addi %mul3A_2, %add3A_158 : i32
      %mul3A_160 = arith.constant 8192 : i32
      %mul3A_161 = arith.muli %add3A_157, %mul3A_160 : i32
      %add3A_162 = arith.addi %mul3A_161, %add3A_159 : i32
      %dma_wait3A_163 = arith.constant 0 : i32
      %dma_wait3A_164 = arith.constant 0 : i32
      %dma_wait3A_165 = tpu.memref_slice %arg3[%dma_wait3A_163, %dma_wait3A_164] : memref<100000x128xf32, #tpu.memory_space<hbm>> -> memref<100000x128xf32, #tpu.memory_space<hbm>>
      tpu.wait_indirect_dma semaphore(%arg22 : memref<!tpu.dma_semaphore, #tpu.memory_space<semaphore_mem>>) src(%dma_wait3A_165 : memref<100000x128xf32, #tpu.memory_space<hbm>>) dst(%arg10 : memref<128x128xf32, #tpu.memory_space<vmem>>)
      %dma_start3A_166 = arith.constant 0 : i32
      %dma_start3A_167 = tpu.memref_slice %arg5[%add3A_162, %dma_start3A_166] : memref<131072x128xf32, #tpu.memory_space<hbm>> -> memref<128x128xf32, #tpu.memory_space<hbm>>
      %dma_start3A_168 = arith.constant 0 : i32
      %dma_start3A_169 = tpu.memref_slice %arg5[%add3A_162, %dma_start3A_168] : memref<131072x128xf32, #tpu.memory_space<hbm>> -> memref<128x128xf32, #tpu.memory_space<hbm>>
      tpu.enqueue_dma source(%arg10 : memref<128x128xf32, #tpu.memory_space<vmem>>) target(%dma_start3A_169 : memref<128x128xf32, #tpu.memory_space<hbm>>) target_semaphore(%arg26 : memref<!tpu.dma_semaphore, #tpu.memory_space<semaphore_mem>>)
      %mul3A_170 = arith.constant 2 : i32
      %mul3A_171 = arith.muli %mul3A_170, %add3A_81 : i32
      %add3A_172 = arith.constant 0 : i32
      %add3A_173 = arith.addi %mul3A_171, %add3A_172 : i32
      %add3A_174 = arith.constant 128 : i32
      %add3A_175 = arith.addi %mul3A_2, %add3A_174 : i32
      %mul3A_176 = arith.constant 8192 : i32
      %mul3A_177 = arith.muli %add3A_173, %mul3A_176 : i32
      %add3A_178 = arith.addi %mul3A_177, %add3A_175 : i32
      %dma_wait3A_179 = arith.constant 0 : i32
      %dma_wait3A_180 = arith.constant 0 : i32
      %dma_wait3A_181 = tpu.memref_slice %arg3[%dma_wait3A_179, %dma_wait3A_180] : memref<100000x128xf32, #tpu.memory_space<hbm>> -> memref<100000x128xf32, #tpu.memory_space<hbm>>
      tpu.wait_indirect_dma semaphore(%arg23 : memref<!tpu.dma_semaphore, #tpu.memory_space<semaphore_mem>>) src(%dma_wait3A_181 : memref<100000x128xf32, #tpu.memory_space<hbm>>) dst(%arg11 : memref<128x128xf32, #tpu.memory_space<vmem>>)
      %dma_start3A_182 = arith.constant 0 : i32
      %dma_start3A_183 = tpu.memref_slice %arg5[%add3A_178, %dma_start3A_182] : memref<131072x128xf32, #tpu.memory_space<hbm>> -> memref<128x128xf32, #tpu.memory_space<hbm>>
      %dma_start3A_184 = arith.constant 0 : i32
      %dma_start3A_185 = tpu.memref_slice %arg5[%add3A_178, %dma_start3A_184] : memref<131072x128xf32, #tpu.memory_space<hbm>> -> memref<128x128xf32, #tpu.memory_space<hbm>>
      tpu.enqueue_dma source(%arg11 : memref<128x128xf32, #tpu.memory_space<vmem>>) target(%dma_start3A_185 : memref<128x128xf32, #tpu.memory_space<hbm>>) target_semaphore(%arg27 : memref<!tpu.dma_semaphore, #tpu.memory_space<semaphore_mem>>)
      %mul3A_186 = arith.constant 2 : i32
      %mul3A_187 = arith.muli %mul3A_186, %add3A_81 : i32
      %add3A_188 = arith.constant 1 : i32
      %add3A_189 = arith.addi %mul3A_187, %add3A_188 : i32
      %add3A_190 = arith.constant 0 : i32
      %add3A_191 = arith.addi %mul3A_2, %add3A_190 : i32
      %mul3A_192 = arith.constant 8192 : i32
      %mul3A_193 = arith.muli %add3A_189, %mul3A_192 : i32
      %add3A_194 = arith.addi %mul3A_193, %add3A_191 : i32
      %dma_wait3A_195 = arith.constant 0 : i32
      %dma_wait3A_196 = arith.constant 0 : i32
      %dma_wait3A_197 = tpu.memref_slice %arg3[%dma_wait3A_195, %dma_wait3A_196] : memref<100000x128xf32, #tpu.memory_space<hbm>> -> memref<100000x128xf32, #tpu.memory_space<hbm>>
      tpu.wait_indirect_dma semaphore(%arg24 : memref<!tpu.dma_semaphore, #tpu.memory_space<semaphore_mem>>) src(%dma_wait3A_197 : memref<100000x128xf32, #tpu.memory_space<hbm>>) dst(%arg12 : memref<128x128xf32, #tpu.memory_space<vmem>>)
      %dma_start3A_198 = arith.constant 0 : i32
      %dma_start3A_199 = tpu.memref_slice %arg5[%add3A_194, %dma_start3A_198] : memref<131072x128xf32, #tpu.memory_space<hbm>> -> memref<128x128xf32, #tpu.memory_space<hbm>>
      %dma_start3A_200 = arith.constant 0 : i32
      %dma_start3A_201 = tpu.memref_slice %arg5[%add3A_194, %dma_start3A_200] : memref<131072x128xf32, #tpu.memory_space<hbm>> -> memref<128x128xf32, #tpu.memory_space<hbm>>
      tpu.enqueue_dma source(%arg12 : memref<128x128xf32, #tpu.memory_space<vmem>>) target(%dma_start3A_201 : memref<128x128xf32, #tpu.memory_space<hbm>>) target_semaphore(%arg28 : memref<!tpu.dma_semaphore, #tpu.memory_space<semaphore_mem>>)
      %mul3A_202 = arith.constant 2 : i32
      %mul3A_203 = arith.muli %mul3A_202, %add3A_81 : i32
      %add3A_204 = arith.constant 1 : i32
      %add3A_205 = arith.addi %mul3A_203, %add3A_204 : i32
      %add3A_206 = arith.constant 128 : i32
      %add3A_207 = arith.addi %mul3A_2, %add3A_206 : i32
      %mul3A_208 = arith.constant 8192 : i32
      %mul3A_209 = arith.muli %add3A_205, %mul3A_208 : i32
      %add3A_210 = arith.addi %mul3A_209, %add3A_207 : i32
      %dma_wait3A_211 = arith.constant 0 : i32
      %dma_wait3A_212 = arith.constant 0 : i32
      %dma_wait3A_213 = tpu.memref_slice %arg3[%dma_wait3A_211, %dma_wait3A_212] : memref<100000x128xf32, #tpu.memory_space<hbm>> -> memref<100000x128xf32, #tpu.memory_space<hbm>>
      tpu.wait_indirect_dma semaphore(%arg25 : memref<!tpu.dma_semaphore, #tpu.memory_space<semaphore_mem>>) src(%dma_wait3A_213 : memref<100000x128xf32, #tpu.memory_space<hbm>>) dst(%arg13 : memref<128x128xf32, #tpu.memory_space<vmem>>)
      %dma_start3A_214 = arith.constant 0 : i32
      %dma_start3A_215 = tpu.memref_slice %arg5[%add3A_210, %dma_start3A_214] : memref<131072x128xf32, #tpu.memory_space<hbm>> -> memref<128x128xf32, #tpu.memory_space<hbm>>
      %dma_start3A_216 = arith.constant 0 : i32
      %dma_start3A_217 = tpu.memref_slice %arg5[%add3A_210, %dma_start3A_216] : memref<131072x128xf32, #tpu.memory_space<hbm>> -> memref<128x128xf32, #tpu.memory_space<hbm>>
      tpu.enqueue_dma source(%arg13 : memref<128x128xf32, #tpu.memory_space<vmem>>) target(%dma_start3A_217 : memref<128x128xf32, #tpu.memory_space<hbm>>) target_semaphore(%arg29 : memref<!tpu.dma_semaphore, #tpu.memory_space<semaphore_mem>>)
      %lt3A = arith.constant 7 : i32
      %lt3A_218 = arith.cmpi slt, %add3A_81, %lt3A : i32
      %convert_element_type3A = arith.extui %lt3A_218 : i1 to i32
      %cond3A = arith.constant 0 : i32
      %cond3A_219 = arith.cmpi ne, %convert_element_type3A, %cond3A : i32
      scf.if %cond3A_219 {
        %mul3A_235 = arith.constant 2 : i32
        %mul3A_236 = arith.muli %mul3A_235, %add3A_81 : i32
        %add3A_237 = arith.constant 0 : i32
        %add3A_238 = arith.addi %mul3A_236, %add3A_237 : i32
        %add3A_239 = arith.constant 0 : i32
        %add3A_240 = arith.addi %mul3A_2, %add3A_239 : i32
        %mul3A_241 = arith.constant 8192 : i32
        %mul3A_242 = arith.muli %add3A_238, %mul3A_241 : i32
        %add3A_243 = arith.addi %mul3A_242, %add3A_240 : i32
        %dma_wait3A_244 = arith.constant 0 : i32
        %dma_wait3A_245 = tpu.memref_slice %arg5[%add3A_243, %dma_wait3A_244] : memref<131072x128xf32, #tpu.memory_space<hbm>> -> memref<128x128xf32, #tpu.memory_space<hbm>>
        %dma_wait3A_246 = arith.constant 0 : i32
        %dma_wait3A_247 = tpu.memref_slice %arg5[%add3A_243, %dma_wait3A_246] : memref<131072x128xf32, #tpu.memory_space<hbm>> -> memref<128x128xf32, #tpu.memory_space<hbm>>
        tpu.wait_dma2 semaphore(%arg26 : memref<!tpu.dma_semaphore, #tpu.memory_space<semaphore_mem>>) src(%arg10 : memref<128x128xf32, #tpu.memory_space<vmem>>) dst(%dma_wait3A_247 : memref<128x128xf32, #tpu.memory_space<hbm>>)
        %add3A_248 = arith.constant 1 : i32
        %add3A_249 = arith.addi %add3A_81, %add3A_248 : i32
        %mul3A_250 = arith.constant 2 : i32
        %mul3A_251 = arith.muli %mul3A_250, %add3A_249 : i32
        %add3A_252 = arith.constant 0 : i32
        %add3A_253 = arith.addi %mul3A_251, %add3A_252 : i32
        %add3A_254 = arith.constant 0 : i32
        %add3A_255 = arith.addi %mul3A_2, %add3A_254 : i32
        %mul3A_256 = arith.constant 8192 : i32
        %mul3A_257 = arith.muli %add3A_253, %mul3A_256 : i32
        %add3A_258 = arith.addi %mul3A_257, %add3A_255 : i32
        %dma_start3A_259 = tpu.memref_slice %arg2[%add3A_258] : memref<131072xi32, #tpu.memory_space<hbm>> -> memref<128xi32, #tpu.memory_space<hbm>>
        %dma_start3A_260 = tpu.memref_slice %arg2[%add3A_258] : memref<131072xi32, #tpu.memory_space<hbm>> -> memref<128xi32, #tpu.memory_space<hbm>>
        tpu.enqueue_dma source(%dma_start3A_260 : memref<128xi32, #tpu.memory_space<hbm>>) target(%arg6 : memref<128xi32, #tpu.memory_space<vmem>>) target_semaphore(%arg14 : memref<!tpu.dma_semaphore, #tpu.memory_space<semaphore_mem>>)
        %dma_start3A_261 = arith.constant 0 : i32
        %dma_start3A_262 = tpu.memref_slice %arg4[%add3A_255, %dma_start3A_261] : memref<8192x128xf32, #tpu.memory_space<hbm>> -> memref<128x128xf32, #tpu.memory_space<hbm>>
        %dma_start3A_263 = arith.constant 0 : i32
        %dma_start3A_264 = tpu.memref_slice %arg4[%add3A_255, %dma_start3A_263] : memref<8192x128xf32, #tpu.memory_space<hbm>> -> memref<128x128xf32, #tpu.memory_space<hbm>>
        tpu.enqueue_dma source(%dma_start3A_264 : memref<128x128xf32, #tpu.memory_space<hbm>>) target(%arg10 : memref<128x128xf32, #tpu.memory_space<vmem>>) target_semaphore(%arg18 : memref<!tpu.dma_semaphore, #tpu.memory_space<semaphore_mem>>)
      } else {
      }
      %lt3A_220 = arith.constant 7 : i32
      %lt3A_221 = arith.cmpi slt, %add3A_81, %lt3A_220 : i32
      %convert_element_type3A_222 = arith.extui %lt3A_221 : i1 to i32
      %cond3A_223 = arith.constant 0 : i32
      %cond3A_224 = arith.cmpi ne, %convert_element_type3A_222, %cond3A_223 : i32
      scf.if %cond3A_224 {
        %mul3A_235 = arith.constant 2 : i32
        %mul3A_236 = arith.muli %mul3A_235, %add3A_81 : i32
        %add3A_237 = arith.constant 0 : i32
        %add3A_238 = arith.addi %mul3A_236, %add3A_237 : i32
        %add3A_239 = arith.constant 128 : i32
        %add3A_240 = arith.addi %mul3A_2, %add3A_239 : i32
        %mul3A_241 = arith.constant 8192 : i32
        %mul3A_242 = arith.muli %add3A_238, %mul3A_241 : i32
        %add3A_243 = arith.addi %mul3A_242, %add3A_240 : i32
        %dma_wait3A_244 = arith.constant 0 : i32
        %dma_wait3A_245 = tpu.memref_slice %arg5[%add3A_243, %dma_wait3A_244] : memref<131072x128xf32, #tpu.memory_space<hbm>> -> memref<128x128xf32, #tpu.memory_space<hbm>>
        %dma_wait3A_246 = arith.constant 0 : i32
        %dma_wait3A_247 = tpu.memref_slice %arg5[%add3A_243, %dma_wait3A_246] : memref<131072x128xf32, #tpu.memory_space<hbm>> -> memref<128x128xf32, #tpu.memory_space<hbm>>
        tpu.wait_dma2 semaphore(%arg27 : memref<!tpu.dma_semaphore, #tpu.memory_space<semaphore_mem>>) src(%arg11 : memref<128x128xf32, #tpu.memory_space<vmem>>) dst(%dma_wait3A_247 : memref<128x128xf32, #tpu.memory_space<hbm>>)
        %add3A_248 = arith.constant 1 : i32
        %add3A_249 = arith.addi %add3A_81, %add3A_248 : i32
        %mul3A_250 = arith.constant 2 : i32
        %mul3A_251 = arith.muli %mul3A_250, %add3A_249 : i32
        %add3A_252 = arith.constant 0 : i32
        %add3A_253 = arith.addi %mul3A_251, %add3A_252 : i32
        %add3A_254 = arith.constant 128 : i32
        %add3A_255 = arith.addi %mul3A_2, %add3A_254 : i32
        %mul3A_256 = arith.constant 8192 : i32
        %mul3A_257 = arith.muli %add3A_253, %mul3A_256 : i32
        %add3A_258 = arith.addi %mul3A_257, %add3A_255 : i32
        %dma_start3A_259 = tpu.memref_slice %arg2[%add3A_258] : memref<131072xi32, #tpu.memory_space<hbm>> -> memref<128xi32, #tpu.memory_space<hbm>>
        %dma_start3A_260 = tpu.memref_slice %arg2[%add3A_258] : memref<131072xi32, #tpu.memory_space<hbm>> -> memref<128xi32, #tpu.memory_space<hbm>>
        tpu.enqueue_dma source(%dma_start3A_260 : memref<128xi32, #tpu.memory_space<hbm>>) target(%arg7 : memref<128xi32, #tpu.memory_space<vmem>>) target_semaphore(%arg15 : memref<!tpu.dma_semaphore, #tpu.memory_space<semaphore_mem>>)
        %dma_start3A_261 = arith.constant 0 : i32
        %dma_start3A_262 = tpu.memref_slice %arg4[%add3A_255, %dma_start3A_261] : memref<8192x128xf32, #tpu.memory_space<hbm>> -> memref<128x128xf32, #tpu.memory_space<hbm>>
        %dma_start3A_263 = arith.constant 0 : i32
        %dma_start3A_264 = tpu.memref_slice %arg4[%add3A_255, %dma_start3A_263] : memref<8192x128xf32, #tpu.memory_space<hbm>> -> memref<128x128xf32, #tpu.memory_space<hbm>>
        tpu.enqueue_dma source(%dma_start3A_264 : memref<128x128xf32, #tpu.memory_space<hbm>>) target(%arg11 : memref<128x128xf32, #tpu.memory_space<vmem>>) target_semaphore(%arg19 : memref<!tpu.dma_semaphore, #tpu.memory_space<semaphore_mem>>)
      } else {
      }
      %lt3A_225 = arith.constant 7 : i32
      %lt3A_226 = arith.cmpi slt, %add3A_81, %lt3A_225 : i32
      %convert_element_type3A_227 = arith.extui %lt3A_226 : i1 to i32
      %cond3A_228 = arith.constant 0 : i32
      %cond3A_229 = arith.cmpi ne, %convert_element_type3A_227, %cond3A_228 : i32
      scf.if %cond3A_229 {
        %mul3A_235 = arith.constant 2 : i32
        %mul3A_236 = arith.muli %mul3A_235, %add3A_81 : i32
        %add3A_237 = arith.constant 1 : i32
        %add3A_238 = arith.addi %mul3A_236, %add3A_237 : i32
        %add3A_239 = arith.constant 0 : i32
        %add3A_240 = arith.addi %mul3A_2, %add3A_239 : i32
        %mul3A_241 = arith.constant 8192 : i32
        %mul3A_242 = arith.muli %add3A_238, %mul3A_241 : i32
        %add3A_243 = arith.addi %mul3A_242, %add3A_240 : i32
        %dma_wait3A_244 = arith.constant 0 : i32
        %dma_wait3A_245 = tpu.memref_slice %arg5[%add3A_243, %dma_wait3A_244] : memref<131072x128xf32, #tpu.memory_space<hbm>> -> memref<128x128xf32, #tpu.memory_space<hbm>>
        %dma_wait3A_246 = arith.constant 0 : i32
        %dma_wait3A_247 = tpu.memref_slice %arg5[%add3A_243, %dma_wait3A_246] : memref<131072x128xf32, #tpu.memory_space<hbm>> -> memref<128x128xf32, #tpu.memory_space<hbm>>
        tpu.wait_dma2 semaphore(%arg28 : memref<!tpu.dma_semaphore, #tpu.memory_space<semaphore_mem>>) src(%arg12 : memref<128x128xf32, #tpu.memory_space<vmem>>) dst(%dma_wait3A_247 : memref<128x128xf32, #tpu.memory_space<hbm>>)
        %add3A_248 = arith.constant 1 : i32
        %add3A_249 = arith.addi %add3A_81, %add3A_248 : i32
        %mul3A_250 = arith.constant 2 : i32
        %mul3A_251 = arith.muli %mul3A_250, %add3A_249 : i32
        %add3A_252 = arith.constant 1 : i32
        %add3A_253 = arith.addi %mul3A_251, %add3A_252 : i32
        %add3A_254 = arith.constant 0 : i32
        %add3A_255 = arith.addi %mul3A_2, %add3A_254 : i32
        %mul3A_256 = arith.constant 8192 : i32
        %mul3A_257 = arith.muli %add3A_253, %mul3A_256 : i32
        %add3A_258 = arith.addi %mul3A_257, %add3A_255 : i32
        %dma_start3A_259 = tpu.memref_slice %arg2[%add3A_258] : memref<131072xi32, #tpu.memory_space<hbm>> -> memref<128xi32, #tpu.memory_space<hbm>>
        %dma_start3A_260 = tpu.memref_slice %arg2[%add3A_258] : memref<131072xi32, #tpu.memory_space<hbm>> -> memref<128xi32, #tpu.memory_space<hbm>>
        tpu.enqueue_dma source(%dma_start3A_260 : memref<128xi32, #tpu.memory_space<hbm>>) target(%arg8 : memref<128xi32, #tpu.memory_space<vmem>>) target_semaphore(%arg16 : memref<!tpu.dma_semaphore, #tpu.memory_space<semaphore_mem>>)
        %dma_start3A_261 = arith.constant 0 : i32
        %dma_start3A_262 = tpu.memref_slice %arg4[%add3A_255, %dma_start3A_261] : memref<8192x128xf32, #tpu.memory_space<hbm>> -> memref<128x128xf32, #tpu.memory_space<hbm>>
        %dma_start3A_263 = arith.constant 0 : i32
        %dma_start3A_264 = tpu.memref_slice %arg4[%add3A_255, %dma_start3A_263] : memref<8192x128xf32, #tpu.memory_space<hbm>> -> memref<128x128xf32, #tpu.memory_space<hbm>>
        tpu.enqueue_dma source(%dma_start3A_264 : memref<128x128xf32, #tpu.memory_space<hbm>>) target(%arg12 : memref<128x128xf32, #tpu.memory_space<vmem>>) target_semaphore(%arg20 : memref<!tpu.dma_semaphore, #tpu.memory_space<semaphore_mem>>)
      } else {
      }
      %lt3A_230 = arith.constant 7 : i32
      %lt3A_231 = arith.cmpi slt, %add3A_81, %lt3A_230 : i32
      %convert_element_type3A_232 = arith.extui %lt3A_231 : i1 to i32
      %cond3A_233 = arith.constant 0 : i32
      %cond3A_234 = arith.cmpi ne, %convert_element_type3A_232, %cond3A_233 : i32
      scf.if %cond3A_234 {
        %mul3A_235 = arith.constant 2 : i32
        %mul3A_236 = arith.muli %mul3A_235, %add3A_81 : i32
        %add3A_237 = arith.constant 1 : i32
        %add3A_238 = arith.addi %mul3A_236, %add3A_237 : i32
        %add3A_239 = arith.constant 128 : i32
        %add3A_240 = arith.addi %mul3A_2, %add3A_239 : i32
        %mul3A_241 = arith.constant 8192 : i32
        %mul3A_242 = arith.muli %add3A_238, %mul3A_241 : i32
        %add3A_243 = arith.addi %mul3A_242, %add3A_240 : i32
        %dma_wait3A_244 = arith.constant 0 : i32
        %dma_wait3A_245 = tpu.memref_slice %arg5[%add3A_243, %dma_wait3A_244] : memref<131072x128xf32, #tpu.memory_space<hbm>> -> memref<128x128xf32, #tpu.memory_space<hbm>>
        %dma_wait3A_246 = arith.constant 0 : i32
        %dma_wait3A_247 = tpu.memref_slice %arg5[%add3A_243, %dma_wait3A_246] : memref<131072x128xf32, #tpu.memory_space<hbm>> -> memref<128x128xf32, #tpu.memory_space<hbm>>
        tpu.wait_dma2 semaphore(%arg29 : memref<!tpu.dma_semaphore, #tpu.memory_space<semaphore_mem>>) src(%arg13 : memref<128x128xf32, #tpu.memory_space<vmem>>) dst(%dma_wait3A_247 : memref<128x128xf32, #tpu.memory_space<hbm>>)
        %add3A_248 = arith.constant 1 : i32
        %add3A_249 = arith.addi %add3A_81, %add3A_248 : i32
        %mul3A_250 = arith.constant 2 : i32
        %mul3A_251 = arith.muli %mul3A_250, %add3A_249 : i32
        %add3A_252 = arith.constant 1 : i32
        %add3A_253 = arith.addi %mul3A_251, %add3A_252 : i32
        %add3A_254 = arith.constant 128 : i32
        %add3A_255 = arith.addi %mul3A_2, %add3A_254 : i32
        %mul3A_256 = arith.constant 8192 : i32
        %mul3A_257 = arith.muli %add3A_253, %mul3A_256 : i32
        %add3A_258 = arith.addi %mul3A_257, %add3A_255 : i32
        %dma_start3A_259 = tpu.memref_slice %arg2[%add3A_258] : memref<131072xi32, #tpu.memory_space<hbm>> -> memref<128xi32, #tpu.memory_space<hbm>>
        %dma_start3A_260 = tpu.memref_slice %arg2[%add3A_258] : memref<131072xi32, #tpu.memory_space<hbm>> -> memref<128xi32, #tpu.memory_space<hbm>>
        tpu.enqueue_dma source(%dma_start3A_260 : memref<128xi32, #tpu.memory_space<hbm>>) target(%arg9 : memref<128xi32, #tpu.memory_space<vmem>>) target_semaphore(%arg17 : memref<!tpu.dma_semaphore, #tpu.memory_space<semaphore_mem>>)
        %dma_start3A_261 = arith.constant 0 : i32
        %dma_start3A_262 = tpu.memref_slice %arg4[%add3A_255, %dma_start3A_261] : memref<8192x128xf32, #tpu.memory_space<hbm>> -> memref<128x128xf32, #tpu.memory_space<hbm>>
        %dma_start3A_263 = arith.constant 0 : i32
        %dma_start3A_264 = tpu.memref_slice %arg4[%add3A_255, %dma_start3A_263] : memref<8192x128xf32, #tpu.memory_space<hbm>> -> memref<128x128xf32, #tpu.memory_space<hbm>>
        tpu.enqueue_dma source(%dma_start3A_264 : memref<128x128xf32, #tpu.memory_space<hbm>>) target(%arg13 : memref<128x128xf32, #tpu.memory_space<vmem>>) target_semaphore(%arg21 : memref<!tpu.dma_semaphore, #tpu.memory_space<semaphore_mem>>)
      } else {
      }
    }
    %scan3A_45 = arith.constant 8 : i32
    %add3A_46 = arith.constant 0 : i32
    %add3A_47 = arith.addi %mul3A_2, %add3A_46 : i32
    %add3A_48 = arith.constant 114688 : i32
    %add3A_49 = arith.addi %add3A_48, %add3A_47 : i32
    %dma_wait3A = arith.constant 0 : i32
    %dma_wait3A_50 = tpu.memref_slice %arg5[%add3A_49, %dma_wait3A] : memref<131072x128xf32, #tpu.memory_space<hbm>> -> memref<128x128xf32, #tpu.memory_space<hbm>>
    %dma_wait3A_51 = arith.constant 0 : i32
    %dma_wait3A_52 = tpu.memref_slice %arg5[%add3A_49, %dma_wait3A_51] : memref<131072x128xf32, #tpu.memory_space<hbm>> -> memref<128x128xf32, #tpu.memory_space<hbm>>
    tpu.wait_dma2 semaphore(%arg26 : memref<!tpu.dma_semaphore, #tpu.memory_space<semaphore_mem>>) src(%arg10 : memref<128x128xf32, #tpu.memory_space<vmem>>) dst(%dma_wait3A_52 : memref<128x128xf32, #tpu.memory_space<hbm>>)
    %add3A_53 = arith.constant 128 : i32
    %add3A_54 = arith.addi %mul3A_2, %add3A_53 : i32
    %add3A_55 = arith.constant 114688 : i32
    %add3A_56 = arith.addi %add3A_55, %add3A_54 : i32
    %dma_wait3A_57 = arith.constant 0 : i32
    %dma_wait3A_58 = tpu.memref_slice %arg5[%add3A_56, %dma_wait3A_57] : memref<131072x128xf32, #tpu.memory_space<hbm>> -> memref<128x128xf32, #tpu.memory_space<hbm>>
    %dma_wait3A_59 = arith.constant 0 : i32
    %dma_wait3A_60 = tpu.memref_slice %arg5[%add3A_56, %dma_wait3A_59] : memref<131072x128xf32, #tpu.memory_space<hbm>> -> memref<128x128xf32, #tpu.memory_space<hbm>>
    tpu.wait_dma2 semaphore(%arg27 : memref<!tpu.dma_semaphore, #tpu.memory_space<semaphore_mem>>) src(%arg11 : memref<128x128xf32, #tpu.memory_space<vmem>>) dst(%dma_wait3A_60 : memref<128x128xf32, #tpu.memory_space<hbm>>)
    %add3A_61 = arith.constant 0 : i32
    %add3A_62 = arith.addi %mul3A_2, %add3A_61 : i32
    %add3A_63 = arith.constant 122880 : i32
    %add3A_64 = arith.addi %add3A_63, %add3A_62 : i32
    %dma_wait3A_65 = arith.constant 0 : i32
    %dma_wait3A_66 = tpu.memref_slice %arg5[%add3A_64, %dma_wait3A_65] : memref<131072x128xf32, #tpu.memory_space<hbm>> -> memref<128x128xf32, #tpu.memory_space<hbm>>
    %dma_wait3A_67 = arith.constant 0 : i32
    %dma_wait3A_68 = tpu.memref_slice %arg5[%add3A_64, %dma_wait3A_67] : memref<131072x128xf32, #tpu.memory_space<hbm>> -> memref<128x128xf32, #tpu.memory_space<hbm>>
    tpu.wait_dma2 semaphore(%arg28 : memref<!tpu.dma_semaphore, #tpu.memory_space<semaphore_mem>>) src(%arg12 : memref<128x128xf32, #tpu.memory_space<vmem>>) dst(%dma_wait3A_68 : memref<128x128xf32, #tpu.memory_space<hbm>>)
    %add3A_69 = arith.constant 128 : i32
    %add3A_70 = arith.addi %mul3A_2, %add3A_69 : i32
    %add3A_71 = arith.constant 122880 : i32
    %add3A_72 = arith.addi %add3A_71, %add3A_70 : i32
    %dma_wait3A_73 = arith.constant 0 : i32
    %dma_wait3A_74 = tpu.memref_slice %arg5[%add3A_72, %dma_wait3A_73] : memref<131072x128xf32, #tpu.memory_space<hbm>> -> memref<128x128xf32, #tpu.memory_space<hbm>>
    %dma_wait3A_75 = arith.constant 0 : i32
    %dma_wait3A_76 = tpu.memref_slice %arg5[%add3A_72, %dma_wait3A_75] : memref<131072x128xf32, #tpu.memory_space<hbm>> -> memref<128x128xf32, #tpu.memory_space<hbm>>
    tpu.wait_dma2 semaphore(%arg29 : memref<!tpu.dma_semaphore, #tpu.memory_space<semaphore_mem>>) src(%arg13 : memref<128x128xf32, #tpu.memory_space<vmem>>) dst(%dma_wait3A_76 : memref<128x128xf32, #tpu.memory_space<hbm>>)
    return
  }
}

</mosaic_0001>

<sc_bundles>
// kernel: kernel.3.cloned.1.call-start
scs
__scs_entry_jumppad:
0x0: {  	(pc) =	sbr.rel $0x88, $3  }
0x1: {  	(tag) =	ssettag $0x0;
	lr =	simm.s32 $0x1  }
0x2: {  	[smem:$0x3F9E] =	sst lr;
	_ =	strace $0xD0000000  }
0x3: {  	_ = 	snop  }
0x4: {  	_ = 	snop  }
0x5: {  	_ = 	snop  }
0x6: {  	_ = 	snop  }
0x7: {  	_ = 	snop  }
__scs_overlays_trampoline_lowered:
0x8: {  	[smem:$0x3FAD] =	sst s0  }
0x9: {  	[smem:$0x3FAE] =	sst s1  }
0xa: {  	[smem:$0x3FAF] =	sst s2  }
0xb: {  	[smem:$0x3FB0] =	sst s3  }
0xc: {  	[smem:$0x3FB1] =	sst s4  }
0xd: {  	[smem:$0x3FB2] =	sst s5  }
0xe: {  	[smem:$0x3FB3] =	sst s6  }
0xf: {  	[smem:$0x3FB4] =	sst s7  }
0x10: {  	[smem:$0x3FB5] =	sst s8  }
0x11: {  	[smem:$0x3FB6] =	sst s9;
	s0 =	simm.s32 @!p0 $0x0  }
0x12: {  	s1 =	sld [smem:$0x3F9C];
	s0 =	simm.s32 @p0 $0x1  }
0x13: {  	[smem:$0x3FB7] =	sst s0;
	s0 =	simm.s32 @!p1 $0x0  }
0x14: {  	s2 =	sld [smem:$0x3F9B];
	s0 =	simm.s32 @p1 $0x1  }
0x15: {  	[smem:$0x3FB8] =	sst s0;
	s0 =	simm.s32 @!p2 $0x0  }
0x16: {  	s3 =	sld [smem:$0x3FDB];
	s0 =	simm.s32 @p2 $0x1  }
0x17: {  	s4 =	simm.s32 $0x1BF5;
	[smem:$0x3FBA] =	sst s0  }
0x18: {  	s0 =	sld [smem:$0x3F9D];
	_ =	swait.ge [sflag:s4], $0x0  }
0x19: {  	s7 =	sld [smem:$0x3F9E]  }
0x1a: {  	s8 =	sadd.s32 $0xFFFFE003, lr  }
0x1b: {  	s9 =	sadd.s32 $0xFFFFFEF7, lr;
	s5 =	simm.s32 $0xFFFFFFFF;
	p2 =	slt.u32 s8, $0xFFFFF086  }
0x1c: {  	p1 =	slt.u32 s9, $0xF7A;
	s5 =	simm.s32 @!p2 $0x0  }
0x1d: {  	s5 =	simm.s32 @p1 $0x1;
	p0 =	seq.s32 s7, s2  }
0x1e: {  	s7 =	smul.u32 @!p0 $0xF7A, s2;
	p2 =	seq.s32 @!p0 s5, $0x0  }
0x1f: {  	s9 =	smul.u32 $0xF7A, s1;
	s8 =	simm.s32 @!p0 $0x1BF5;
	p2 =	por !p2, p0  }
0x20: {  	[sflag:s8] =	ssyncset.s32 @!p0 $0xFFFFF086;
	s6 =	sadd.s32 @!p0 s3, s7;
	s7 =	simm.s32 @!p0 $0x108  }
0x21: {  	s3 =	sadd.s32 s3, s9;
	s6 =	sadd.s32 @!p0 $0x88, s6;
	s7 =	simm.s32 @p2 $0x1082  }
0x22: {  	[simem:s7], [sflag:s8] =	dma.local @!p0 [hbm:s6], $0xF7A  }
0x23: {  	s9 =	sor.u32 $0xD0000000, s2;
	s6 =	simm.s32 $0x108;
	_ =	swait.ge @!p0 [sflag:s8], $0x0  }
0x24: {  	s3 =	sadd.s32 $0x88, s3;
	s6 =	simm.s32 @!p1 $0x1082;
	[sflag:s4] =	ssyncset.s32 $0xFFFFF086  }
0x25: {  	[simem:s6], [sflag:s4] =	dma.local [hbm:s3], $0xF7A  }
0x26: {  	[smem:$0x3F9E] =	sst s1;
	(tag) =	ssettag s2;
	_ =	strace s9  }
0x27: {  	s1 =	sld [smem:$0x3FAE]  }
0x28: {  	s2 =	sld [smem:$0x3FAF]  }
0x29: {  	s4 =	sld [smem:$0x3FB1]  }
0x2a: {  	p0 =	seq.s32 s5, $0x0;
	s5 =	sld [smem:$0x3FB2]  }
0x2b: {  	s6 =	sld [smem:$0x3FB3]  }
0x2c: {  	s7 =	sld [smem:$0x3FB4]  }
0x2d: {  	s3 =	simm.s32 $0x108;
	s8 =	sld [smem:$0x3FB5]  }
0x2e: {  	s3 =	simm.s32 @!p0 $0x1082;
	s9 =	sld [smem:$0x3FB6]  }
0x2f: {  	lr =	sadd.s32 s0, s3;
	s0 =	sld [smem:$0x3FAD]  }
0x30: {  	s3 =	sld [smem:$0x3FB0]  }
0x31: {  	[smem:$0x3FB9] =	sst s10  }
0x32: {  	s10 =	sld [smem:$0x3FB7];
	_ =	sdelay $0x3  }
0x33: {  	p0 =	seq.s32 s10, $0x1;
	s10 =	sld [smem:$0x3FB9];
	_ =	sdelay $0x3  }
0x34: {  	[smem:$0x3FB9] =	sst s10  }
0x35: {  	s10 =	sld [smem:$0x3FB8];
	_ =	sdelay $0x3  }
0x36: {  	p1 =	seq.s32 s10, $0x1;
	s10 =	sld [smem:$0x3FB9];
	_ =	sdelay $0x3  }
0x37: {  	[smem:$0x3FB9] =	sst s10  }
0x38: {  	s10 =	sld [smem:$0x3FBA]  }
0x39: {  	_ = 	snop;
	(pc) =	sbr.ind lr, $3  }
0x3a: {  	_ = 	snop  }
0x3b: {  	_ = 	snop  }
0x3c: {  	p2 =	seq.s32 s10, $0x1;
	s10 =	sld [smem:$0x3FB9]  }
0x3d: {  	_ =	shalt  }
0x3e: {  	_ =	shalt  }
0x3f: {  	_ =	shalt  }
0x40: {  	_ =	shalt  }
0x41: {  	_ =	shalt  }
0x42: {  	_ =	shalt  }
0x43: {  	_ =	shalt  }
0x44: {  	_ =	shalt  }
0x45: {  	_ =	shalt  }
0x46: {  	_ =	shalt  }
0x47: {  	_ =	shalt  }
0x48: {  	_ =	shalt  }
0x49: {  	_ =	shalt  }
0x4a: {  	_ =	shalt  }
0x4b: {  	_ =	shalt  }
0x4c: {  	_ =	shalt  }
0x4d: {  	_ =	shalt  }
0x4e: {  	_ =	shalt  }
0x4f: {  	_ =	shalt  }
0x50: {  	_ =	shalt  }
0x51: {  	_ =	shalt  }
0x52: {  	_ =	shalt  }
0x53: {  	_ =	shalt  }
0x54: {  	_ =	shalt  }
0x55: {  	_ =	shalt  }
0x56: {  	_ =	shalt  }
0x57: {  	_ =	shalt  }
0x58: {  	_ =	shalt  }
0x59: {  	_ =	shalt  }
0x5a: {  	_ =	shalt  }
0x5b: {  	_ =	shalt  }
0x5c: {  	_ =	shalt  }
0x5d: {  	_ =	shalt  }
0x5e: {  	_ =	shalt  }
0x5f: {  	_ =	shalt  }
0x60: {  	_ =	shalt  }
0x61: {  	_ =	shalt  }
0x62: {  	_ =	shalt  }
0x63: {  	_ =	shalt  }
0x64: {  	_ =	shalt  }
0x65: {  	_ =	shalt  }
0x66: {  	_ =	shalt  }
0x67: {  	_ =	shalt  }
0x68: {  	_ =	shalt  }
0x69: {  	_ =	shalt  }
0x6a: {  	_ =	shalt  }
0x6b: {  	_ =	shalt  }
0x6c: {  	_ =	shalt  }
0x6d: {  	_ =	shalt  }
0x6e: {  	_ =	shalt  }
0x6f: {  	_ =	shalt  }
0x70: {  	_ =	shalt  }
0x71: {  	_ =	shalt  }
0x72: {  	_ =	shalt  }
0x73: {  	_ =	shalt  }
0x74: {  	_ =	shalt  }
0x75: {  	_ =	shalt  }
0x76: {  	_ =	shalt  }
0x77: {  	_ =	shalt  }
0x78: {  	_ =	shalt  }
0x79: {  	_ =	shalt  }
0x7a: {  	_ =	shalt  }
0x7b: {  	_ =	shalt  }
0x7c: {  	_ =	shalt  }
0x7d: {  	_ =	shalt  }
0x7e: {  	_ =	shalt  }
0x7f: {  	_ =	shalt  }
0x80: {  	_ =	shalt  }
0x81: {  	_ =	shalt  }
0x82: {  	_ =	shalt  }
0x83: {  	_ =	shalt  }
0x84: {  	_ =	shalt  }
0x85: {  	_ =	shalt  }
0x86: {  	_ =	shalt  }
0x87: {  	_ =	shalt  }
.Lfunc_end0:
.L_simem_size_0:
called_computation_lowered:
.L_overlay_start_0:
0x88: {  	s2 =	sld [smem:$0x3FD9]  }
0x89: {  	s3 =	sld [smem:$0x3FFE];
	_ =	sdelay $0x1  }
0x8a: {  	s1 =	srdreg.scid  }
0x8b: {  	s0 =	sand.u32 $0x1, s1  }
0x8c: {  	s17 =	sshll.u32 s0, $0xA;
	s2 =	sadd.s32 s3, s2  }
0x8d: {  	s2 =	sadd.s32 s2, s17  }
0x8e: {  	[smem:$0x3FC5] =	sst s2  }
0x8f: {  	_ = 	snop  }
0x90: {  	s2 =	sld [smem:$0x3FC8]  }
0x91: {  	s18 =	sld [smem:$0x3FC7]  }
0x92: {  	s4 =	sld [smem:$0x3FD0];
	(tm) =	ssettm $0x1  }
0x93: {  	s5 =	sld [smem:$0x3FFB];
	_ =	sdelay $0x3  }
0x94: {  	_ =	strace s5  }
0x95: {  	s5 =	sld [smem:$0x3FFC];
	_ =	sdelay $0x3  }
0x96: {  	_ =	strace s5  }
0x97: {  	s5 =	sld [smem:$0x3FFD];
	_ =	sdelay $0x3  }
0x98: {  	_ =	strace s5  }
0x99: {  	_ =	strace $0x8FFFFFFF  }
0x9a: {  	s19 =	sld [smem:$0x3FDB];
	_ =	sdelay $0x1  }
0x9b: {  	s6 =	simm.s32 $_scs_section_size  }
0x9c: {  	s7 =	simm.s32 $_size__tile_overlayer_lowered;
	s8 =	simm.s32 $_tile_overlayer_lowered  }
0x9d: {  	s22 =	simm.s32 $0x1BFF;
	s21 =	sshll.u32 s8, $0x1;
	s5 =	sadd.s32 s6, s19  }
0x9e: {  	s9 =	simm.s32 $0x0;
	s20 =	sshll.u32 s7, $0x1;
	s7 =	sadd.s32 s21, s5  }
0x9f: {  	[timem:s9], [sflag:s22] =	dma.local [hbm:s7], s20  }
0xa0: {  	_ =	swait.ge [sflag:s22], s20  }
0xa1: {  	s6 =	ssub.s32 $0x0, s20;
	[sflag:s22] =	ssyncset.done $0x0  }
0xa2: {  	[sflag:s22] =	ssyncadd.s32 s6;
	_ =	sdelay $0x1  }
0xa3: {  	s23 =	simm.s32 $0x1B8B  }
0xa4: {  	_ =	swait.ge [sflag:s23], $0x1  }
0xa5: {  	[sflag:s23] =	ssyncset.done $0x0  }
0xa6: {  	s25 =	simm.s32 $0x1B8E;
	s24 =	sld [smem:$0x3FFE];
	[sflag:s23] =	ssyncadd.s32 $0xFFFFFFFF  }
0xa7: {  	s26 =	simm.s32 $execute0_lowered;
	[smem:$0x3FD2] =	sst s25  }
0xa8: {  	s7 =	sshll.u32 s26, $0x1;
	_ =	strace $0x80000046;
	[dreg:$0x1] =	wrdreg $0xFFFFFFFF  }
0xa9: {  	s28 =	simm.s32 $_size_execute0_lowered;
	s5 =	sadd.s32 s5, s7;
	[dreg:$0x0] =	wrdreg $0x0  }
0xaa: {  	s7 =	sshll.u32 s28, $0x1;
	[dreg:$0x2] =	wrdreg s5  }
0xab: {  	[dreg:$0x3] =	wrdreg s7  }
0xac: {  	[dreg:$0x4] =	wrdreg $0xC0  }
0xad: {  	_ =	task [dreg:s9], $0x5FFFF  }
0xae: {  	[dreg:$0x1] =	wrdreg $0xFFFFFFFF  }
0xaf: {  	[dreg:$0x0] =	wrdreg $0x60  }
0xb0: {  	[dreg:$0x2] =	wrdreg s24  }
0xb1: {  	[dreg:$0x3] =	wrdreg s2  }
0xb2: {  	[dreg:$0x4] =	wrdreg s18  }
0xb3: {  	[dreg:$0x5] =	wrdreg s4  }
0xb4: {  	[dreg:$0x6] =	wrdreg $0x9  }
0xb5: {  	_ =	task.clear_ibuf [dreg:s9], $0x7FFFF;
	_ =	strace $0x90000046  }
0xb6: {  	s29 =	simm.s32 $0x9;
	_ =	strace $0x80000048  }
0xb7: {  	_ =	swait.ge [sflag:s29], $0x1  }
0xb8: {  	[sflag:s29] =	ssyncadd.s32 $0xFFFFFFFF  }
0xb9: {  	_ =	strace $0x90000048  }
0xba: {  	_ =	sfence  }
0xbb: {  	s30 =	sld [smem:$0x0];
	_ =	sdelay $0x2  }
0xbc: {  	s31 =	sshll.u32 s1, $0xD;
	s1 =	sshrl.u32 s1, $0x2  }
0xbd: {  	s3 =	sand.u32 $0x4000, s31;
	s1 =	sadd.s32 s1, s30  }
0xbe: {  	s0 =	sor.u32 s3, s0;
	s1 =	sshll.u32 s1, $0x11  }
0xbf: {  	s0 =	sor.u32 s1, s0  }
0xc0: {  	s0 =	sadd.s32 $0x8F2B, s0  }
0xc1: {  	[sflag:s0] =	ssyncadd.remote.s32 $0x1  }
0xc2: {  	_ =	sfence.sel $0xFFFF  }
0xc3: {  	[dreg:$0x0] =	wrdreg $0xFFFFFFFF;
	(pc) =	sbr.abs _section_cstart, $3  }
0xc4: {  	[dreg:$0x1] =	wrdreg $0xFFFFFFFF  }
0xc5: {  	_ =	task.clear_ibuf [dreg:s9], $0x2FFFF;
	_ =	strace $0x9FFFFFFF  }
0xc6: {  	(tm) =	ssettm $0x7FFFFFFF  }
0xc7: {  	_ =	shalt  }
tec
execute0_lowered:
.L_overlay_start_1:
0x0: {  	(tag) =	ssettag $0x1  }
0x1: {  	s0 =	rddreg [dreg:$0x0]  }
0x2: {  	s2 =	rddreg [dreg:$0x2]  }
0x3: {  	s4 =	rddreg [dreg:$0x3];
	s3 =	simm.s32 $0x0;
	s5 =	srdreg.scid  }
0x4: {  	s10 =	stileid.u32;
	s28 =	simm.s32 $0x6;
	s29 =	simm.s32 $0x3  }
0x5: {  	s30 =	simm.s32 $0x7;
	s31 =	simm.s32 $0x4;
	s13 =	simm.s32 $0x10  }
0x6: {  	s1 =	simm.s32 $0x0;
	[smem:$0x7FF] =	sst s3;
	s5 =	sand.u32 $0x1, s5  }
0x7: {  	s7 =	sshll.u32 s10, $0x9;
	s11 =	sadd.s32 $0x400, s0;
	s24 =	sshll.u32 s10, $0xD  }
0x8: {  	s10 =	simm.s32 $0xC;
	_ =	strace $0x80000047;
	s6 =	ssub.s32 $0x2, s5  }
0x9: {  	s8 =	sshll.u32 s5, $0x8;
	s4 =	sadd.s32 s24, s4;
	s5 =	sshll.u32 s5, $0xC  }
0xa: {  	[dreg:$0x5] =	wrdreg s11;
	s24 =	simm.s32 $0xC200;
	s14 =	sshrl.u32 s6, $0x1  }
0xb: {  	s7 =	sor.u32 s8, s7;
	s26 =	sadd.s32 s5, s4;
	s5 =	simm.s32 $0xE  }
0xc: {  	s0 =	ssub.s32 s6, s14;
	s15 =	sshrl.u32 s7, $0x3;
	s8 =	sor.u32 $0x80, s7  }
0xd: {  	s16 =	sshll.u32 s7, $0x4;
	s18 =	sor.u32 $0x4080, s7;
	s21 =	sor.u32 $0x4000, s7  }
0xe: {  	s22 =	sor.u32 $0x6080, s7;
	s23 =	sor.u32 $0x6000, s7;
	[dreg:$0xf] =	wrdreg s26  }
0xf: {  	s26 =	simm.s32 $0x2;
	s7 =	simm.s32 $0xA;
	s12 =	sadd.s32 s11, s15  }
0x10: {  	s9 =	sshrl.u32 s8, $0x3;
	s6 =	sadd.s32 s2, s16;
	s8 =	sshll.u32 s8, $0x4  }
0x11: {  	s0 =	smax.u32 s0, $0x1;
	s20 =	sshrl.u32 s18, $0x3;
	[dreg:$0xb] =	wrdreg s21  }
0x12: {  	s18 =	simm.s32 $0x80;
	s21 =	simm.s32 $0x100;
	[dreg:$0x6] =	wrdreg s12  }
0x13: {  	s9 =	sadd.s32 s11, s9;
	s8 =	sadd.s32 s2, s8;
	[dreg:$0xa] =	wrdreg s0  }
0x14: {  	s17 =	sadd.s32 $0x400, s12;
	s19 =	sadd.s32 $0x410, s12;
	[dreg:$0x7] =	wrdreg s9  }
0x15: {  	s0 =	sadd.s32 s20, s11;
	s2 =	sshrl.u32 s23, $0x3;
	[dreg:$0x8] =	wrdreg s17  }
0x16: {  	s23 =	simm.s32 $0x180;
	s12 =	simm.s32 $0xF;
	[dreg:$0x9] =	wrdreg s19  }
.Ltmp0:
0x17: {  	[dreg:$0xc] =	wrdreg s0;
	s0 =	sshrl.u32 s22, $0x3;
	(pc) =	sbr.rel .LBB2_1-.Ltmp0, $4  }
0x18: {  	s25 =	sadd.s32 s2, s11;
	s17 =	simm.s32 $0x200;
	s19 =	simm.s32 $0x4200  }
0x19: {  	s22 =	simm.s32 $0x8200;
	s2 =	simm.s32 $0x9;
	s9 =	simm.s32 $0xB  }
0x1a: {  	s0 =	sadd.s32 s0, s11;
	[dreg:$0xe] =	wrdreg s25;
	s11 =	simm.s32 $0xD  }
0x1b: {  	s25 =	simm.s32 $0xC200;
	[dreg:$0xd] =	wrdreg s0;
	s0 =	simm.s32 $0x8  }
.LBB2_4:
0x1c: {  	_ =	swait.ge [sflag:s5], $0x4000  }
0x1d: {  	[sflag:s5] =	ssyncset.done $0x0  }
0x1e: {  	[sflag:s5] =	ssyncadd.s32 $0xFFFFC000  }
0x1f: {  	_ =	swait.ge [sflag:s12], $0x4000  }
0x20: {  	[sflag:s12] =	ssyncset.done $0x0  }
0x21: {  	[sflag:s12] =	ssyncadd.s32 $0xFFFFC000  }
0x22: {  	_ =	swait.ge [sflag:s13], $0x4000  }
0x23: {  	s1 =	rddreg [dreg:$0x10]  }
0x24: {  	s4 =	rddreg [dreg:$0xa];
	s1 =	sadd.s32 $0x1, s1  }
0x25: {  	p0 =	sne.s32 s1, s4  }
.Ltmp1:
0x26: {  	_ = 	snop;
	(pc) =	sbr.rel @!p0 .LBB2_5-.Ltmp1, $4  }
0x27: {  	_ = 	snop  }
0x28: {  	s17 =	simm.s32 $0x200;
	s19 =	simm.s32 $0x4200  }
0x29: {  	s21 =	simm.s32 $0x100;
	s22 =	simm.s32 $0x8200;
	[sflag:s13] =	ssyncset.done $0x0  }
0x2a: {  	s23 =	simm.s32 $0x180;
	s24 =	simm.s32 $0xC200;
	[sflag:s13] =	ssyncadd.s32 $0xFFFFC000  }
.LBB2_1:
0x2b: {  	[dreg:$0x10] =	wrdreg s1  }
0x2c: {  	s4 =	rddreg [dreg:$0x6]  }
0x2d: {  	[tilespmem:s3], [sflag:$0x1] =	stream.linear.gather [hbm4b:s4+s3], $0x80, $0x38;
	[tilespmem:$0x10200] =	vst v63  }
0x2e: {  	s15 =	rddreg [dreg:$0x7]  }
0x2f: {  	[tilespmem:s17], [sflag:$0x5] =	stream.linear.gather [hbm4b:s6+s3], $0x4000, $0x38;
	[tilespmem:$0x10200] =	vst v63  }
0x30: {  	s16 =	rddreg [dreg:$0x8]  }
0x31: {  	[tilespmem:s18], [sflag:$0x2] =	stream.linear.gather [hbm4b:s15+s3], $0x80, $0x38;
	[tilespmem:$0x10200] =	vst v63  }
0x32: {  	s20 =	rddreg [dreg:$0x9]  }
0x33: {  	[tilespmem:s19], [sflag:$0x6] =	stream.linear.gather [hbm4b:s8+s3], $0x4000, $0x38;
	[tilespmem:$0x10200] =	vst v63  }
0x34: {  	s14 =	rddreg [dreg:$0xd]  }
0x35: {  	[tilespmem:s21], [sflag:$0x3] =	stream.linear.gather [hbm4b:s16+s3], $0x80, $0x38;
	[tilespmem:$0x10200] =	vst v63  }
0x36: {  	s4 =	rddreg [dreg:$0xc]  }
0x37: {  	[tilespmem:s22], [sflag:$0x7] =	stream.linear.gather [hbm4b:s6+s3], $0x4000, $0x38;
	[tilespmem:$0x10200] =	vst v63  }
0x38: {  	s15 =	rddreg [dreg:$0xe]  }
0x39: {  	[tilespmem:s23], [sflag:$0x4] =	stream.linear.gather [hbm4b:s20+s3], $0x80, $0x38;
	[tilespmem:$0x10200] =	vst v63  }
0x3a: {  	s16 =	rddreg [dreg:$0xb];
	s20 =	simm.s32 $0x0  }
0x3b: {  	[tilespmem:s24], [sflag:$0x8] =	stream.linear.gather [hbm4b:s8+s3], $0x4000, $0x38;
	[tilespmem:$0x10200] =	vst v63  }
.LBB2_2:
0x3c: {  	s1 =	simm.s32 $0x1  }
0x3d: {  	_ =	swait.ge [sflag:s1], $0x80  }
0x3e: {  	[sflag:s1] =	ssyncset.done $0x0  }
0x3f: {  	[sflag:s1] =	ssyncadd.s32 $0xFFFFFF80;
	s1 =	simm.s32 $0x5  }
0x40: {  	_ =	swait.ge [sflag:s1], $0x4000  }
0x41: {  	[sflag:s1] =	ssyncset.done $0x0  }
0x42: {  	[sflag:s1] =	ssyncadd.s32 $0xFFFFC000  }
0x43: {  	s1 =	rddreg [dreg:$0x1]  }
0x44: {  	[tilespmem:s17], [sflag:$0x9] =	stream.indirect.gather.add.f32 [hbm:s1], $0x80, s3, s18, $0xb8;
	[tilespmem:$0x10200] =	vst v63  }
0x45: {  	_ =	swait.ge [sflag:s26], $0x80  }
0x46: {  	[sflag:s26] =	ssyncset.done $0x0  }
0x47: {  	[sflag:s26] =	ssyncadd.s32 $0xFFFFFF80  }
0x48: {  	_ =	swait.ge [sflag:s28], $0x4000  }
0x49: {  	[sflag:s28] =	ssyncset.done $0x0  }
0x4a: {  	[sflag:s28] =	ssyncadd.s32 $0xFFFFC000  }
0x4b: {  	[tilespmem:s19], [sflag:$0xA] =	stream.indirect.gather.add.f32 [hbm:s1], $0x80, s18, s18, $0xb8;
	[tilespmem:$0x10200] =	vst v63  }
0x4c: {  	_ =	swait.ge [sflag:s29], $0x80  }
0x4d: {  	[sflag:s29] =	ssyncset.done $0x0  }
0x4e: {  	[sflag:s29] =	ssyncadd.s32 $0xFFFFFF80  }
0x4f: {  	_ =	swait.ge [sflag:s30], $0x4000  }
0x50: {  	[sflag:s30] =	ssyncset.done $0x0  }
0x51: {  	[sflag:s30] =	ssyncadd.s32 $0xFFFFC000  }
0x52: {  	[tilespmem:s22], [sflag:$0xB] =	stream.indirect.gather.add.f32 [hbm:s1], $0x80, s21, s18, $0xb8;
	[tilespmem:$0x10200] =	vst v63  }
0x53: {  	_ =	swait.ge [sflag:s31], $0x80  }
0x54: {  	[sflag:s31] =	ssyncset.done $0x0  }
0x55: {  	[sflag:s31] =	ssyncadd.s32 $0xFFFFFF80  }
0x56: {  	_ =	swait.ge [sflag:s0], $0x4000  }
0x57: {  	[sflag:s0] =	ssyncset.done $0x0  }
0x58: {  	[sflag:s0] =	ssyncadd.s32 $0xFFFFC000  }
0x59: {  	[tilespmem:s24], [sflag:$0xC] =	stream.indirect.gather.add.f32 [hbm:s1], $0x80, s23, s18, $0xb8;
	[tilespmem:$0x10200] =	vst v63  }
0x5a: {  	_ =	swait.ge [sflag:s2], $0x4000  }
0x5b: {  	[sflag:s2] =	ssyncset.done $0x0;
	s22 =	rddreg [dreg:$0xf]  }
0x5c: {  	s19 =	simm.s32 $0x200;
	[sflag:s2] =	ssyncadd.s32 $0xFFFFC000;
	s22 =	sadd.s32 s20, s22  }
0x5d: {  	[hbm4b:s22+s3] =	stream.linear.scatter [tilespmem:s19], [sflag:$0xD], $0x4000, $0x38;
	[tilespmem:$0x10200] =	vst v63  }
0x5e: {  	_ =	swait.ge [sflag:s7], $0x4000  }
0x5f: {  	[sflag:s7] =	ssyncset.done $0x0  }
0x60: {  	s21 =	simm.s32 $0x4200;
	s17 =	sadd.s32 $0x800, s22;
	[sflag:s7] =	ssyncadd.s32 $0xFFFFC000  }
0x61: {  	[hbm4b:s17+s3] =	stream.linear.scatter [tilespmem:s21], [sflag:$0xE], $0x4000, $0x38;
	[tilespmem:$0x10200] =	vst v63  }
0x62: {  	_ =	swait.ge [sflag:s9], $0x4000  }
0x63: {  	[sflag:s9] =	ssyncset.done $0x0  }
0x64: {  	s24 =	simm.s32 $0x8200;
	s17 =	sadd.s32 $0x20000, s22;
	[sflag:s9] =	ssyncadd.s32 $0xFFFFC000  }
0x65: {  	[hbm4b:s17+s3] =	stream.linear.scatter [tilespmem:s24], [sflag:$0xF], $0x4000, $0x38;
	[tilespmem:$0x10200] =	vst v63  }
0x66: {  	_ =	swait.ge [sflag:s10], $0x4000  }
0x67: {  	p0 =	seq.s32 s20, $0x1C0000;
	[sflag:s10] =	ssyncset.done $0x0  }
.Ltmp2:
0x68: {  	s22 =	sadd.s32 $0x20800, s22;
	[sflag:s10] =	ssyncadd.s32 $0xFFFFC000;
	(pc) =	sbr.rel @p0 .LBB2_4-.Ltmp2, $4  }
0x69: {  	[hbm4b:s22+s3] =	stream.linear.scatter [tilespmem:s25], [sflag:$0x10], $0x4000, $0x38;
	[tilespmem:$0x10200] =	vst v63  }
0x6a: {  	_ =	swait.ge [sflag:s11], $0x4000  }
0x6b: {  	[sflag:s11] =	ssyncset.done $0x0  }
0x6c: {  	s1 =	simm.s32 $0x180;
	s23 =	simm.s32 $0x100;
	[sflag:s11] =	ssyncadd.s32 $0xFFFFC000  }
0x6d: {  	s17 =	sshrl.u32 s16, $0x3;
	s22 =	rddreg [dreg:$0x5]  }
0x6e: {  	s17 =	sadd.s32 s22, s17  }
0x6f: {  	[tilespmem:s3], [sflag:$0x1] =	stream.linear.gather [hbm4b:s17+s3], $0x80, $0x38;
	[tilespmem:$0x10200] =	vst v63  }
0x70: {  	_ = 	snop  }
0x71: {  	[tilespmem:s19], [sflag:$0x5] =	stream.linear.gather [hbm4b:s6+s3], $0x4000, $0x38;
	[tilespmem:$0x10200] =	vst v63  }
0x72: {  	_ =	swait.ge [sflag:s5], $0x4000  }
0x73: {  	[sflag:s5] =	ssyncset.done $0x0  }
0x74: {  	[sflag:s5] =	ssyncadd.s32 $0xFFFFC000  }
0x75: {  	[tilespmem:s18], [sflag:$0x2] =	stream.linear.gather [hbm4b:s4+s3], $0x80, $0x38;
	[tilespmem:$0x10200] =	vst v63  }
0x76: {  	_ = 	snop  }
0x77: {  	[tilespmem:s21], [sflag:$0x6] =	stream.linear.gather [hbm4b:s8+s3], $0x4000, $0x38;
	[tilespmem:$0x10200] =	vst v63  }
0x78: {  	_ =	swait.ge [sflag:s12], $0x4000  }
0x79: {  	[sflag:s12] =	ssyncset.done $0x0  }
0x7a: {  	[sflag:s12] =	ssyncadd.s32 $0xFFFFC000  }
0x7b: {  	[tilespmem:s23], [sflag:$0x3] =	stream.linear.gather [hbm4b:s15+s3], $0x80, $0x38;
	[tilespmem:$0x10200] =	vst v63  }
0x7c: {  	s20 =	sadd.s32 $0x40000, s20;
	s16 =	sadd.s32 $0x4000, s16;
	s22 =	simm.s32 $0x8200  }
0x7d: {  	[tilespmem:s24], [sflag:$0x7] =	stream.linear.gather [hbm4b:s6+s3], $0x4000, $0x38;
	[tilespmem:$0x10200] =	vst v63  }
0x7e: {  	s17 =	simm.s32 $0x200;
	s19 =	simm.s32 $0x4200;
	_ =	swait.ge [sflag:s13], $0x4000  }
.Ltmp3:
0x7f: {  	s4 =	sadd.s32 $0x800, s4;
	[sflag:s13] =	ssyncset.done $0x0;
	(pc) =	sbr.rel .LBB2_2-.Ltmp3, $4  }
0x80: {  	s21 =	simm.s32 $0x100;
	s15 =	sadd.s32 $0x800, s15;
	[sflag:s13] =	ssyncadd.s32 $0xFFFFC000  }
0x81: {  	[tilespmem:s1], [sflag:$0x4] =	stream.linear.gather [hbm4b:s14+s3], $0x80, $0x38;
	[tilespmem:$0x10200] =	vst v63  }
0x82: {  	s23 =	simm.s32 $0x180;
	s24 =	simm.s32 $0xC200;
	s14 =	sadd.s32 $0x800, s14  }
0x83: {  	[tilespmem:s25], [sflag:$0x8] =	stream.linear.gather [hbm4b:s8+s3], $0x4000, $0x38;
	[tilespmem:$0x10200] =	vst v63  }
.LBB2_5:
0x84: {  	_ =	sfence.sel $0x180000  }
0x85: {  	[bflag:$0x0] =	sbarrier.arrive $0xFFFF  }
0x86: {  	_ =	strace $0x90000047  }
0x87: {  	s0 =	stileid.u32;
	[bflag:$0x2] =	sbarrier.arrive $0xFFFF  }
0x88: {  	p0 =	sne.s32 s0, $0x0;
	s0 =	rddreg [dreg:$0x4]  }
0x89: {  	s0 =	sadd.s32 @!p0 $0x100000, s0  }
0x8a: {  	[sflag:s0] =	ssyncadd.tile.s32 @!p0 $0x1;
	_ =	shalt  }
.Lfunc_end2:
_tile_overlayer_lowered:
.L_overlay_start_2:
0x8b: {  	(tag) =	ssettag $0x2  }
0x8c: {  	s0 =	rddreg [dreg:$0x0];
	s2 =	stileid.u32  }
0x8d: {  	s1 =	rddreg [dreg:$0x1];
	p0 =	sne.s32 s2, $0x0  }
0x8e: {  	s3 =	rddreg [dreg:$0x2];
	[bflag:$0x3] =	sbarrier.arrive $0xFFFF;
	s2 =	simm.s32 @!p0 $0x1C11  }
0x8f: {  	[timem:s3], [sflag:s2] =	dma.local @!p0 [hbm:s0], s1  }
0x90: {  	s0 =	simm.s32 @!p0 $0x11  }
0x91: {  	_ =	swait.ge @!p0 [sflag:s0], s1  }
0x92: {  	s1 =	ssub.s32 @!p0 $0x0, s1;
	[sflag:s0] =	ssyncset.done @!p0 $0x0  }
0x93: {  	[sflag:s0] =	ssyncadd.s32 @!p0 s1  }
0x94: {  	[bflag:$0x3] =	sbarrier.arrive $0xFFFF  }
0x95: {  	_ =	shalt  }

</sc_bundles>
